<compile_context>
chip_gen: v7x
topology: tpu7x:2x2x1
jax: 0.10.2.dev20260603
libtpu: 0.0.44.dev20260713+nightly
codegen_flags: <defaults>
</compile_context>

<pallas_src>
import functools

import jax
import jax.numpy as jnp
from jax import lax
from jax.experimental import pallas as pl
from jax.experimental.pallas import tpu as pltpu
from jax.experimental.pallas import tpu_sc as plsc

BATCH = 16384
DIM = 64
LANES = 16
NUM_CORES = 2
NUM_SUBCORES = 16
NUM_WORKERS = NUM_CORES * NUM_SUBCORES
ROWS_PER_WORKER = BATCH // NUM_WORKERS
CHUNK = 128
NCHUNK = ROWS_PER_WORKER // CHUNK
PAD = ROWS_PER_WORKER + 1
DGROUPS = DIM // LANES

COPY_GRID = 8
COPY_BLOCK = BATCH // COPY_GRID


def _gather_body(table_hbm, idx_hbm, out_hbm, idx_v, rows_v, out_t_v,
                 sem, out_sem):
    wid = lax.axis_index("s") * NUM_CORES + lax.axis_index("c")
    base = wid * ROWS_PER_WORKER
    pltpu.sync_copy(idx_hbm.at[pl.ds(wid * NCHUNK, NCHUNK)], idx_v)
    gathers = [
        pltpu.async_copy(
            table_hbm.at[idx_v.at[j]],
            rows_v.at[pl.ds(j * CHUNK, CHUNK)],
            sem,
        )
        for j in range(NCHUNK)
    ]
    for g in gathers:
        g.wait()

    dvecs = [dg * LANES + lax.iota(jnp.int32, LANES) for dg in range(DGROUPS)]

    @plsc.parallel_loop(0, ROWS_PER_WORKER)
    def _(b):
        bvec = jnp.full((LANES,), b, dtype=jnp.int32)
        for dg in range(DGROUPS):
            vals = rows_v[b, pl.ds(dg * LANES, LANES)]
            plsc.store_scatter(out_t_v, [dvecs[dg], bvec], vals)

    pltpu.sync_copy(
        out_t_v.at[:, pl.ds(0, ROWS_PER_WORKER)],
        out_hbm.at[:, pl.ds(base, ROWS_PER_WORKER)],
    )


_gather_t = functools.partial(
    pl.kernel,
    out_type=jax.ShapeDtypeStruct((DIM, BATCH), jnp.float32),
    mesh=plsc.VectorSubcoreMesh(core_axis_name="c", subcore_axis_name="s"),
    scratch_types=[
        pltpu.VMEM((NCHUNK, CHUNK), jnp.int32),
        pltpu.VMEM((ROWS_PER_WORKER, DIM), jnp.float32),
        pltpu.VMEM((DIM, PAD), jnp.float32),
        pltpu.SemaphoreType.DMA,
        pltpu.SemaphoreType.DMA,
    ],
    compiler_params=pltpu.CompilerParams(
        use_tc_tiling_on_sc=False, needs_layout_passes=False
    ),
)(_gather_body)


def _copy_body(sub_ref, obj_ref, sub_out_ref, obj_out_ref):
    sub_out_ref[...] = sub_ref[...]
    obj_out_ref[...] = obj_ref[...]


_passthrough_t = pl.pallas_call(
    _copy_body,
    grid=(COPY_GRID,),
    in_specs=[
        pl.BlockSpec((DIM, COPY_BLOCK), lambda i: (0, i)),
        pl.BlockSpec((DIM, COPY_BLOCK), lambda i: (0, i)),
    ],
    out_specs=[
        pl.BlockSpec((DIM, COPY_BLOCK), lambda i: (0, i)),
        pl.BlockSpec((DIM, COPY_BLOCK), lambda i: (0, i)),
    ],
    out_shape=(
        jax.ShapeDtypeStruct((DIM, BATCH), jnp.float32),
        jax.ShapeDtypeStruct((DIM, BATCH), jnp.float32),
    ),
)


def kernel(subject_embeddings, relation_ids, object_embeddings, relation_table):
    idx2d = relation_ids.astype(jnp.int32).reshape(NUM_WORKERS * NCHUNK, CHUNK)
    rel_t = _gather_t(relation_table, idx2d)
    sub_t, obj_t = _passthrough_t(subject_embeddings.T, object_embeddings.T)
    return (sub_t.T, rel_t.T, obj_t.T)

# --- scband reference (transcript-rebuilt; emitter-appended) ---
"""Pipeline reference for scband-chain-head-4647154614623 (READ-ONLY COPY).

The authoritative reference and input builder live on the scoring server;
editing this copy changes nothing except your own understanding.
"""

import jax, jax.numpy as jnp
import numpy as np

BATCH = 16384
NUM_RELATIONS = 1000
EMB_DIM = 64
REL_DIM = 64

def setup_inputs(seed: int = 0) -> dict:
    key = jax.random.key(seed)
    k1, k2, k3, k4 = jax.random.split(key, 4)
    subject_embeddings = jax.random.normal(k1, (BATCH, EMB_DIM), dtype=jnp.float32)
    object_embeddings = jax.random.normal(k2, (BATCH, EMB_DIM), dtype=jnp.float32)
    relation_ids = jax.random.randint(k3, (BATCH,), 0, NUM_RELATIONS)
    # learned parameter: relation embedding table, init uniform(-0.1, 0.1)
    relation_table = jax.random.uniform(k4, (NUM_RELATIONS, REL_DIM), minval=-0.1, maxval=0.1, dtype=jnp.float32)
    return {
        "subject_embeddings": subject_embeddings,
        "relation_ids": relation_ids,
        "object_embeddings": object_embeddings,
        "relation_table": relation_table,
    }

def reference(subject_embeddings, relation_ids, object_embeddings, relation_table):
    # embedding_dim == relation_dim, so projection is identity (None in torch module)
    subject_projected = subject_embeddings
    object_projected = object_embeddings
    relation_embeddings = jnp.take(relation_table, relation_ids, axis=0)
    # dict outputs returned as a tuple: (subject, relation, object)
    return (subject_projected, relation_embeddings, object_projected)

if __name__ == "__main__":
    import jax
    _d = setup_inputs()
    print(jax.jit(kernel)(*tuple(_d.values())))

</pallas_src>

<mosaic_0001>
#map = affine_map<(d0, d1) -> (0, 0)>
module attributes {stable_mosaic.version = 14 : i64} {
  func.func @_gather_body(%arg0: i32, %arg1: i32, %arg2: memref<1000x64xf32, #tpu.memory_space<hbm>>, %arg3: memref<128x128xi32, #tpu.memory_space<hbm>>, %arg4: memref<64x16384xf32, #tpu.memory_space<hbm>>, %arg5: memref<4x128xi32, #tpu.memory_space<vmem>>, %arg6: memref<512x64xf32, #tpu.memory_space<vmem>>, %arg7: memref<64x513xf32, #tpu.memory_space<vmem>>, %arg8: memref<!tpu.dma_semaphore, #tpu.memory_space<semaphore_mem>>, %arg9: memref<!tpu.dma_semaphore, #tpu.memory_space<semaphore_mem>>) attributes {dimension_semantics = [#tpu.dimension_semantics<core_parallel>, #tpu.dimension_semantics<subcore_parallel>], iteration_bounds = array<i64: 2, 16>, scalar_prefetch = 0 : i64, scratch_operands = 5 : i64, tpu.core_type = #tpu.core_type<sc_vector_subcore>, window_params = [{transform_indices = #map}, {transform_indices = #map}, {transform_indices = #map}]} {
    %mul3A = arith.constant 2 : i32
    %mul3A_0 = arith.muli %arg1, %mul3A : i32
    %add3A = arith.addi %mul3A_0, %arg0 : i32
    %mul3A_1 = arith.constant 512 : i32
    %mul3A_2 = arith.muli %add3A, %mul3A_1 : i32
    %mul3A_3 = arith.constant 4 : i32
    %mul3A_4 = arith.muli %add3A, %mul3A_3 : i32
    "tpu.region"() ({
      %run_scoped3A = tpu.sem_alloc : memref<!tpu.dma_semaphore, #tpu.memory_space<semaphore_mem>>
      %dma_start3A_100 = arith.constant 0 : i32
      %dma_start3A_101 = tpu.memref_slice %arg3[%mul3A_4, %dma_start3A_100] : memref<128x128xi32, #tpu.memory_space<hbm>> -> memref<4x128xi32, #tpu.memory_space<hbm>>
      %dma_start3A_102 = arith.constant 0 : i32
      %dma_start3A_103 = tpu.memref_slice %arg3[%mul3A_4, %dma_start3A_102] : memref<128x128xi32, #tpu.memory_space<hbm>> -> memref<4x128xi32, #tpu.memory_space<hbm>>
      tpu.enqueue_dma source(%dma_start3A_103 : memref<4x128xi32, #tpu.memory_space<hbm>>) target(%arg5 : memref<4x128xi32, #tpu.memory_space<vmem>>) target_semaphore(%run_scoped3A : memref<!tpu.dma_semaphore, #tpu.memory_space<semaphore_mem>>)
      %dma_wait3A_104 = arith.constant 0 : i32
      %dma_wait3A_105 = tpu.memref_slice %arg3[%mul3A_4, %dma_wait3A_104] : memref<128x128xi32, #tpu.memory_space<hbm>> -> memref<4x128xi32, #tpu.memory_space<hbm>>
      %dma_wait3A_106 = arith.constant 0 : i32
      %dma_wait3A_107 = tpu.memref_slice %arg3[%mul3A_4, %dma_wait3A_106] : memref<128x128xi32, #tpu.memory_space<hbm>> -> memref<4x128xi32, #tpu.memory_space<hbm>>
      tpu.wait_dma2 semaphore(%run_scoped3A : memref<!tpu.dma_semaphore, #tpu.memory_space<semaphore_mem>>) src(%dma_wait3A_107 : memref<4x128xi32, #tpu.memory_space<hbm>>) dst(%arg5 : memref<4x128xi32, #tpu.memory_space<vmem>>)
      tpu.yield
    }) : () -> ()
    %dma_start3A = arith.constant 0 : i32
    %dma_start3A_5 = arith.constant 0 : i32
    %dma_start3A_6 = arith.constant 0 : i32
    %dma_start3A_7 = tpu.memref_slice %arg6[%dma_start3A_5, %dma_start3A_6] : memref<512x64xf32, #tpu.memory_space<vmem>> -> memref<128x64xf32, #tpu.memory_space<vmem>>
    %dma_start3A_8 = arith.constant 0 : i32
    %dma_start3A_9 = tpu.memref_slice %arg5[%dma_start3A, %dma_start3A_8] : memref<4x128xi32, #tpu.memory_space<vmem>> -> memref<1x128xi32, #tpu.memory_space<vmem>>
    %dma_start3A_10 = tpu.memref_squeeze %dma_start3A_9 : memref<1x128xi32, #tpu.memory_space<vmem>> -> memref<128xi32, #tpu.memory_space<vmem>>
    %dma_start3A_11 = arith.constant 0 : i32
    %dma_start3A_12 = arith.constant 0 : i32
    %dma_start3A_13 = tpu.memref_slice %arg2[%dma_start3A_11, %dma_start3A_12] : memref<1000x64xf32, #tpu.memory_space<hbm>> -> memref<1000x64xf32, #tpu.memory_space<hbm>>
    tpu.enqueue_indirect_dma source(%dma_start3A_13 : memref<1000x64xf32, #tpu.memory_space<hbm>>) target(%dma_start3A_7 : memref<128x64xf32, #tpu.memory_space<vmem>>) offsets(%dma_start3A_10 : memref<128xi32, #tpu.memory_space<vmem>>) semaphore(%arg8 : memref<!tpu.dma_semaphore, #tpu.memory_space<semaphore_mem>>)
    %dma_start3A_14 = arith.constant 1 : i32
    %dma_start3A_15 = arith.constant 128 : i32
    %dma_start3A_16 = arith.constant 0 : i32
    %dma_start3A_17 = tpu.memref_slice %arg6[%dma_start3A_15, %dma_start3A_16] : memref<512x64xf32, #tpu.memory_space<vmem>> -> memref<128x64xf32, #tpu.memory_space<vmem>>
    %dma_start3A_18 = arith.constant 0 : i32
    %dma_start3A_19 = tpu.memref_slice %arg5[%dma_start3A_14, %dma_start3A_18] : memref<4x128xi32, #tpu.memory_space<vmem>> -> memref<1x128xi32, #tpu.memory_space<vmem>>
    %dma_start3A_20 = tpu.memref_squeeze %dma_start3A_19 : memref<1x128xi32, #tpu.memory_space<vmem>> -> memref<128xi32, #tpu.memory_space<vmem>>
    %dma_start3A_21 = arith.constant 0 : i32
    %dma_start3A_22 = arith.constant 0 : i32
    %dma_start3A_23 = tpu.memref_slice %arg2[%dma_start3A_21, %dma_start3A_22] : memref<1000x64xf32, #tpu.memory_space<hbm>> -> memref<1000x64xf32, #tpu.memory_space<hbm>>
    tpu.enqueue_indirect_dma source(%dma_start3A_23 : memref<1000x64xf32, #tpu.memory_space<hbm>>) target(%dma_start3A_17 : memref<128x64xf32, #tpu.memory_space<vmem>>) offsets(%dma_start3A_20 : memref<128xi32, #tpu.memory_space<vmem>>) semaphore(%arg8 : memref<!tpu.dma_semaphore, #tpu.memory_space<semaphore_mem>>)
    %dma_start3A_24 = arith.constant 2 : i32
    %dma_start3A_25 = arith.constant 256 : i32
    %dma_start3A_26 = arith.constant 0 : i32
    %dma_start3A_27 = tpu.memref_slice %arg6[%dma_start3A_25, %dma_start3A_26] : memref<512x64xf32, #tpu.memory_space<vmem>> -> memref<128x64xf32, #tpu.memory_space<vmem>>
    %dma_start3A_28 = arith.constant 0 : i32
    %dma_start3A_29 = tpu.memref_slice %arg5[%dma_start3A_24, %dma_start3A_28] : memref<4x128xi32, #tpu.memory_space<vmem>> -> memref<1x128xi32, #tpu.memory_space<vmem>>
    %dma_start3A_30 = tpu.memref_squeeze %dma_start3A_29 : memref<1x128xi32, #tpu.memory_space<vmem>> -> memref<128xi32, #tpu.memory_space<vmem>>
    %dma_start3A_31 = arith.constant 0 : i32
    %dma_start3A_32 = arith.constant 0 : i32
    %dma_start3A_33 = tpu.memref_slice %arg2[%dma_start3A_31, %dma_start3A_32] : memref<1000x64xf32, #tpu.memory_space<hbm>> -> memref<1000x64xf32, #tpu.memory_space<hbm>>
    tpu.enqueue_indirect_dma source(%dma_start3A_33 : memref<1000x64xf32, #tpu.memory_space<hbm>>) target(%dma_start3A_27 : memref<128x64xf32, #tpu.memory_space<vmem>>) offsets(%dma_start3A_30 : memref<128xi32, #tpu.memory_space<vmem>>) semaphore(%arg8 : memref<!tpu.dma_semaphore, #tpu.memory_space<semaphore_mem>>)
    %dma_start3A_34 = arith.constant 3 : i32
    %dma_start3A_35 = arith.constant 384 : i32
    %dma_start3A_36 = arith.constant 0 : i32
    %dma_start3A_37 = tpu.memref_slice %arg6[%dma_start3A_35, %dma_start3A_36] : memref<512x64xf32, #tpu.memory_space<vmem>> -> memref<128x64xf32, #tpu.memory_space<vmem>>
    %dma_start3A_38 = arith.constant 0 : i32
    %dma_start3A_39 = tpu.memref_slice %arg5[%dma_start3A_34, %dma_start3A_38] : memref<4x128xi32, #tpu.memory_space<vmem>> -> memref<1x128xi32, #tpu.memory_space<vmem>>
    %dma_start3A_40 = tpu.memref_squeeze %dma_start3A_39 : memref<1x128xi32, #tpu.memory_space<vmem>> -> memref<128xi32, #tpu.memory_space<vmem>>
    %dma_start3A_41 = arith.constant 0 : i32
    %dma_start3A_42 = arith.constant 0 : i32
    %dma_start3A_43 = tpu.memref_slice %arg2[%dma_start3A_41, %dma_start3A_42] : memref<1000x64xf32, #tpu.memory_space<hbm>> -> memref<1000x64xf32, #tpu.memory_space<hbm>>
    tpu.enqueue_indirect_dma source(%dma_start3A_43 : memref<1000x64xf32, #tpu.memory_space<hbm>>) target(%dma_start3A_37 : memref<128x64xf32, #tpu.memory_space<vmem>>) offsets(%dma_start3A_40 : memref<128xi32, #tpu.memory_space<vmem>>) semaphore(%arg8 : memref<!tpu.dma_semaphore, #tpu.memory_space<semaphore_mem>>)
    %dma_wait3A = arith.constant 0 : i32
    %dma_wait3A_44 = arith.constant 0 : i32
    %dma_wait3A_45 = arith.constant 0 : i32
    %dma_wait3A_46 = tpu.memref_slice %arg6[%dma_wait3A_44, %dma_wait3A_45] : memref<512x64xf32, #tpu.memory_space<vmem>> -> memref<128x64xf32, #tpu.memory_space<vmem>>
    %dma_wait3A_47 = arith.constant 0 : i32
    %dma_wait3A_48 = tpu.memref_slice %arg5[%dma_wait3A, %dma_wait3A_47] : memref<4x128xi32, #tpu.memory_space<vmem>> -> memref<1x128xi32, #tpu.memory_space<vmem>>
    %dma_wait3A_49 = tpu.memref_squeeze %dma_wait3A_48 : memref<1x128xi32, #tpu.memory_space<vmem>> -> memref<128xi32, #tpu.memory_space<vmem>>
    %dma_wait3A_50 = arith.constant 0 : i32
    %dma_wait3A_51 = arith.constant 0 : i32
    %dma_wait3A_52 = tpu.memref_slice %arg2[%dma_wait3A_50, %dma_wait3A_51] : memref<1000x64xf32, #tpu.memory_space<hbm>> -> memref<1000x64xf32, #tpu.memory_space<hbm>>
    tpu.wait_indirect_dma semaphore(%arg8 : memref<!tpu.dma_semaphore, #tpu.memory_space<semaphore_mem>>) src(%dma_wait3A_52 : memref<1000x64xf32, #tpu.memory_space<hbm>>) dst(%dma_wait3A_46 : memref<128x64xf32, #tpu.memory_space<vmem>>)
    %dma_wait3A_53 = arith.constant 1 : i32
    %dma_wait3A_54 = arith.constant 128 : i32
    %dma_wait3A_55 = arith.constant 0 : i32
    %dma_wait3A_56 = tpu.memref_slice %arg6[%dma_wait3A_54, %dma_wait3A_55] : memref<512x64xf32, #tpu.memory_space<vmem>> -> memref<128x64xf32, #tpu.memory_space<vmem>>
    %dma_wait3A_57 = arith.constant 0 : i32
    %dma_wait3A_58 = tpu.memref_slice %arg5[%dma_wait3A_53, %dma_wait3A_57] : memref<4x128xi32, #tpu.memory_space<vmem>> -> memref<1x128xi32, #tpu.memory_space<vmem>>
    %dma_wait3A_59 = tpu.memref_squeeze %dma_wait3A_58 : memref<1x128xi32, #tpu.memory_space<vmem>> -> memref<128xi32, #tpu.memory_space<vmem>>
    %dma_wait3A_60 = arith.constant 0 : i32
    %dma_wait3A_61 = arith.constant 0 : i32
    %dma_wait3A_62 = tpu.memref_slice %arg2[%dma_wait3A_60, %dma_wait3A_61] : memref<1000x64xf32, #tpu.memory_space<hbm>> -> memref<1000x64xf32, #tpu.memory_space<hbm>>
    tpu.wait_indirect_dma semaphore(%arg8 : memref<!tpu.dma_semaphore, #tpu.memory_space<semaphore_mem>>) src(%dma_wait3A_62 : memref<1000x64xf32, #tpu.memory_space<hbm>>) dst(%dma_wait3A_56 : memref<128x64xf32, #tpu.memory_space<vmem>>)
    %dma_wait3A_63 = arith.constant 2 : i32
    %dma_wait3A_64 = arith.constant 256 : i32
    %dma_wait3A_65 = arith.constant 0 : i32
    %dma_wait3A_66 = tpu.memref_slice %arg6[%dma_wait3A_64, %dma_wait3A_65] : memref<512x64xf32, #tpu.memory_space<vmem>> -> memref<128x64xf32, #tpu.memory_space<vmem>>
    %dma_wait3A_67 = arith.constant 0 : i32
    %dma_wait3A_68 = tpu.memref_slice %arg5[%dma_wait3A_63, %dma_wait3A_67] : memref<4x128xi32, #tpu.memory_space<vmem>> -> memref<1x128xi32, #tpu.memory_space<vmem>>
    %dma_wait3A_69 = tpu.memref_squeeze %dma_wait3A_68 : memref<1x128xi32, #tpu.memory_space<vmem>> -> memref<128xi32, #tpu.memory_space<vmem>>
    %dma_wait3A_70 = arith.constant 0 : i32
    %dma_wait3A_71 = arith.constant 0 : i32
    %dma_wait3A_72 = tpu.memref_slice %arg2[%dma_wait3A_70, %dma_wait3A_71] : memref<1000x64xf32, #tpu.memory_space<hbm>> -> memref<1000x64xf32, #tpu.memory_space<hbm>>
    tpu.wait_indirect_dma semaphore(%arg8 : memref<!tpu.dma_semaphore, #tpu.memory_space<semaphore_mem>>) src(%dma_wait3A_72 : memref<1000x64xf32, #tpu.memory_space<hbm>>) dst(%dma_wait3A_66 : memref<128x64xf32, #tpu.memory_space<vmem>>)
    %dma_wait3A_73 = arith.constant 3 : i32
    %dma_wait3A_74 = arith.constant 384 : i32
    %dma_wait3A_75 = arith.constant 0 : i32
    %dma_wait3A_76 = tpu.memref_slice %arg6[%dma_wait3A_74, %dma_wait3A_75] : memref<512x64xf32, #tpu.memory_space<vmem>> -> memref<128x64xf32, #tpu.memory_space<vmem>>
    %dma_wait3A_77 = arith.constant 0 : i32
    %dma_wait3A_78 = tpu.memref_slice %arg5[%dma_wait3A_73, %dma_wait3A_77] : memref<4x128xi32, #tpu.memory_space<vmem>> -> memref<1x128xi32, #tpu.memory_space<vmem>>
    %dma_wait3A_79 = tpu.memref_squeeze %dma_wait3A_78 : memref<1x128xi32, #tpu.memory_space<vmem>> -> memref<128xi32, #tpu.memory_space<vmem>>
    %dma_wait3A_80 = arith.constant 0 : i32
    %dma_wait3A_81 = arith.constant 0 : i32
    %dma_wait3A_82 = tpu.memref_slice %arg2[%dma_wait3A_80, %dma_wait3A_81] : memref<1000x64xf32, #tpu.memory_space<hbm>> -> memref<1000x64xf32, #tpu.memory_space<hbm>>
    tpu.wait_indirect_dma semaphore(%arg8 : memref<!tpu.dma_semaphore, #tpu.memory_space<semaphore_mem>>) src(%dma_wait3A_82 : memref<1000x64xf32, #tpu.memory_space<hbm>>) dst(%dma_wait3A_76 : memref<128x64xf32, #tpu.memory_space<vmem>>)
    %iota3A = tpu.iota {dimensions = array<i32: 0>} : vector<16xi32>
    %add3A_83 = arith.constant 0 : i32
    %add3A_84 = vector.broadcast %add3A_83 : i32 to vector<16xi32>
    %add3A_85 = arith.addi %add3A_84, %iota3A : vector<16xi32>
    %iota3A_86 = tpu.iota {dimensions = array<i32: 0>} : vector<16xi32>
    %add3A_87 = arith.constant 16 : i32
    %add3A_88 = vector.broadcast %add3A_87 : i32 to vector<16xi32>
    %add3A_89 = arith.addi %add3A_88, %iota3A_86 : vector<16xi32>
    %iota3A_90 = tpu.iota {dimensions = array<i32: 0>} : vector<16xi32>
    %add3A_91 = arith.constant 32 : i32
    %add3A_92 = vector.broadcast %add3A_91 : i32 to vector<16xi32>
    %add3A_93 = arith.addi %add3A_92, %iota3A_90 : vector<16xi32>
    %iota3A_94 = tpu.iota {dimensions = array<i32: 0>} : vector<16xi32>
    %add3A_95 = arith.constant 48 : i32
    %add3A_96 = vector.broadcast %add3A_95 : i32 to vector<16xi32>
    %add3A_97 = arith.addi %add3A_96, %iota3A_94 : vector<16xi32>
    %parallel_loop3A = arith.constant 0 : i32
    %parallel_loop3A_98 = arith.constant 512 : i32
    %parallel_loop3A_99 = arith.constant 1 : i32
    scf.for %parallel_loop3A_100 = %parallel_loop3A to %parallel_loop3A_98 step %parallel_loop3A_99  : i32 {
      %parallel_loop3A_101 = vector.broadcast %parallel_loop3A_100 : i32 to vector<16xi32>
      %parallel_loop3A_102 = arith.index_cast %parallel_loop3A_100 : i32 to index
      %parallel_loop3A_103 = arith.constant 0 : index
      %parallel_loop3A_104 = tpu.vector_load %arg6[%parallel_loop3A_102, %parallel_loop3A_103] {strides = array<i32>} : memref<512x64xf32, #tpu.memory_space<vmem>>, vector<16xf32>,
      tpu.vector_store_idx %arg7[%add3A_85, %parallel_loop3A_101], %parallel_loop3A_104 : memref<64x513xf32, #tpu.memory_space<vmem>>[vector<16xi32>, vector<16xi32>], vector<16xf32>,
      %parallel_loop3A_105 = arith.index_cast %parallel_loop3A_100 : i32 to index
      %parallel_loop3A_106 = arith.constant 16 : index
      %parallel_loop3A_107 = tpu.vector_load %arg6[%parallel_loop3A_105, %parallel_loop3A_106] {strides = array<i32>} : memref<512x64xf32, #tpu.memory_space<vmem>>, vector<16xf32>,
      tpu.vector_store_idx %arg7[%add3A_89, %parallel_loop3A_101], %parallel_loop3A_107 : memref<64x513xf32, #tpu.memory_space<vmem>>[vector<16xi32>, vector<16xi32>], vector<16xf32>,
      %parallel_loop3A_108 = arith.index_cast %parallel_loop3A_100 : i32 to index
      %parallel_loop3A_109 = arith.constant 32 : index
      %parallel_loop3A_110 = tpu.vector_load %arg6[%parallel_loop3A_108, %parallel_loop3A_109] {strides = array<i32>} : memref<512x64xf32, #tpu.memory_space<vmem>>, vector<16xf32>,
      tpu.vector_store_idx %arg7[%add3A_93, %parallel_loop3A_101], %parallel_loop3A_110 : memref<64x513xf32, #tpu.memory_space<vmem>>[vector<16xi32>, vector<16xi32>], vector<16xf32>,
      %parallel_loop3A_111 = arith.index_cast %parallel_loop3A_100 : i32 to index
      %parallel_loop3A_112 = arith.constant 48 : index
      %parallel_loop3A_113 = tpu.vector_load %arg6[%parallel_loop3A_111, %parallel_loop3A_112] {strides = array<i32>} : memref<512x64xf32, #tpu.memory_space<vmem>>, vector<16xf32>,
      tpu.vector_store_idx %arg7[%add3A_97, %parallel_loop3A_101], %parallel_loop3A_113 : memref<64x513xf32, #tpu.memory_space<vmem>>[vector<16xi32>, vector<16xi32>], vector<16xf32>,
    } {sc.loop_unroll_factor = 1 : i64, sc.parallel_access}
    "tpu.region"() ({
      %run_scoped3A = tpu.sem_alloc : memref<!tpu.dma_semaphore, #tpu.memory_space<semaphore_mem>>
      %dma_start3A_100 = arith.constant 0 : i32
      %dma_start3A_101 = arith.constant 0 : i32
      %dma_start3A_102 = tpu.memref_slice %arg7[%dma_start3A_100, %dma_start3A_101] : memref<64x513xf32, #tpu.memory_space<vmem>> -> memref<64x512xf32, #tpu.memory_space<vmem>>
      %dma_start3A_103 = arith.constant 0 : i32
      %dma_start3A_104 = tpu.memref_slice %arg4[%dma_start3A_103, %mul3A_2] : memref<64x16384xf32, #tpu.memory_space<hbm>> -> memref<64x512xf32, #tpu.memory_space<hbm>>
      %dma_start3A_105 = arith.constant 0 : i32
      %dma_start3A_106 = tpu.memref_slice %arg4[%dma_start3A_105, %mul3A_2] : memref<64x16384xf32, #tpu.memory_space<hbm>> -> memref<64x512xf32, #tpu.memory_space<hbm>>
      %dma_start3A_107 = arith.constant 0 : i32
      %dma_start3A_108 = arith.constant 0 : i32
      %dma_start3A_109 = tpu.memref_slice %arg7[%dma_start3A_107, %dma_start3A_108] : memref<64x513xf32, #tpu.memory_space<vmem>> -> memref<64x512xf32, #tpu.memory_space<vmem>>
      tpu.enqueue_dma source(%dma_start3A_109 : memref<64x512xf32, #tpu.memory_space<vmem>>) target(%dma_start3A_106 : memref<64x512xf32, #tpu.memory_space<hbm>>) target_semaphore(%run_scoped3A : memref<!tpu.dma_semaphore, #tpu.memory_space<semaphore_mem>>)
      %dma_wait3A_110 = arith.constant 0 : i32
      %dma_wait3A_111 = arith.constant 0 : i32
      %dma_wait3A_112 = tpu.memref_slice %arg7[%dma_wait3A_110, %dma_wait3A_111] : memref<64x513xf32, #tpu.memory_space<vmem>> -> memref<64x512xf32, #tpu.memory_space<vmem>>
      %dma_wait3A_113 = arith.constant 0 : i32
      %dma_wait3A_114 = tpu.memref_slice %arg4[%dma_wait3A_113, %mul3A_2] : memref<64x16384xf32, #tpu.memory_space<hbm>> -> memref<64x512xf32, #tpu.memory_space<hbm>>
      %dma_wait3A_115 = arith.constant 0 : i32
      %dma_wait3A_116 = tpu.memref_slice %arg4[%dma_wait3A_115, %mul3A_2] : memref<64x16384xf32, #tpu.memory_space<hbm>> -> memref<64x512xf32, #tpu.memory_space<hbm>>
      %dma_wait3A_117 = arith.constant 0 : i32
      %dma_wait3A_118 = arith.constant 0 : i32
      %dma_wait3A_119 = tpu.memref_slice %arg7[%dma_wait3A_117, %dma_wait3A_118] : memref<64x513xf32, #tpu.memory_space<vmem>> -> memref<64x512xf32, #tpu.memory_space<vmem>>
      tpu.wait_dma2 semaphore(%run_scoped3A : memref<!tpu.dma_semaphore, #tpu.memory_space<semaphore_mem>>) src(%dma_wait3A_119 : memref<64x512xf32, #tpu.memory_space<vmem>>) dst(%dma_wait3A_116 : memref<64x512xf32, #tpu.memory_space<hbm>>)
      tpu.yield
    }) : () -> ()
    return
  }
}

module attributes {stable_mosaic.version = 14 : i64} {
  func.func @_copy_body(%arg0: i32, %arg1: memref<64x2048xf32, #tpu.memory_space<vmem>>, %arg2: memref<64x2048xf32, #tpu.memory_space<vmem>>, %arg3: memref<64x2048xf32, #tpu.memory_space<vmem>>, %arg4: memref<64x2048xf32, #tpu.memory_space<vmem>>) attributes {dimension_semantics = [#tpu.dimension_semantics<arbitrary>], iteration_bounds = array<i64: 8>, scalar_prefetch = 0 : i64, scratch_operands = 0 : i64, tpu.core_type = #tpu.core_type<tc>, window_params = [{transform_indices = @transform_0, window_bounds = array<i64: 64, 2048>}, {transform_indices = @transform_1, window_bounds = array<i64: 64, 2048>}, {transform_indices = @transform_2, window_bounds = array<i64: 64, 2048>}, {transform_indices = @transform_3, window_bounds = array<i64: 64, 2048>}]} {
    %get3A = arith.constant 0 : index
    %get3A_0 = arith.constant 0 : index
    %get3A_1 = vector.load %arg1[%get3A, %get3A_0] : memref<64x2048xf32, #tpu.memory_space<vmem>>, vector<64x2048xf32>
    %swap3A = arith.constant 0 : index
    %swap3A_2 = arith.constant 0 : index
    %swap3A_3 = vector.load %arg3[%swap3A, %swap3A_2] : memref<64x2048xf32, #tpu.memory_space<vmem>>, vector<64x2048xf32>
    tpu.vector_store %arg3[%swap3A, %swap3A_2], %get3A_1 {strides = array<i32>} : memref<64x2048xf32, #tpu.memory_space<vmem>>, vector<64x2048xf32>,
    %get3A_4 = arith.constant 0 : index
    %get3A_5 = arith.constant 0 : index
    %get3A_6 = vector.load %arg2[%get3A_4, %get3A_5] : memref<64x2048xf32, #tpu.memory_space<vmem>>, vector<64x2048xf32>
    %swap3A_7 = arith.constant 0 : index
    %swap3A_8 = arith.constant 0 : index
    %swap3A_9 = vector.load %arg4[%swap3A_7, %swap3A_8] : memref<64x2048xf32, #tpu.memory_space<vmem>>, vector<64x2048xf32>
    tpu.vector_store %arg4[%swap3A_7, %swap3A_8], %get3A_6 {strides = array<i32>} : memref<64x2048xf32, #tpu.memory_space<vmem>>, vector<64x2048xf32>,
    return
  }
  func.func @transform_0(%arg0: i32) -> (i32, i32) {
    %c0_i32 = arith.constant 0 : i32
    %c0_i32_0 = arith.constant 0 : i32
    return %c0_i32, %arg0 : i32, i32
  }
  func.func @transform_1(%arg0: i32) -> (i32, i32) {
    %c0_i32 = arith.constant 0 : i32
    %c0_i32_0 = arith.constant 0 : i32
    return %c0_i32, %arg0 : i32, i32
  }
  func.func @transform_2(%arg0: i32) -> (i32, i32) {
    %c0_i32 = arith.constant 0 : i32
    %c0_i32_0 = arith.constant 0 : i32
    return %c0_i32, %arg0 : i32, i32
  }
  func.func @transform_3(%arg0: i32) -> (i32, i32) {
    %c0_i32 = arith.constant 0 : i32
    %c0_i32_0 = arith.constant 0 : i32
    return %c0_i32, %arg0 : i32, i32
  }
}

</mosaic_0001>

<sc_bundles>
// kernel: kernel.4.cloned.1.call-start
scs
__scs_entry_jumppad:
0x0: {  	(pc) =	sbr.rel $0x88, $3  }
0x1: {  	(tag) =	ssettag $0x0;
	lr =	simm.s32 $0x1  }
0x2: {  	[smem:$0x3F9D] =	sst lr;
	_ =	strace $0xD0000000  }
0x3: {  	_ = 	snop  }
0x4: {  	_ = 	snop  }
0x5: {  	_ = 	snop  }
0x6: {  	_ = 	snop  }
0x7: {  	_ = 	snop  }
__scs_overlays_trampoline_lowered:
0x8: {  	[smem:$0x3FAC] =	sst s0  }
0x9: {  	[smem:$0x3FAD] =	sst s1  }
0xa: {  	[smem:$0x3FAE] =	sst s2  }
0xb: {  	[smem:$0x3FAF] =	sst s3  }
0xc: {  	[smem:$0x3FB0] =	sst s4  }
0xd: {  	[smem:$0x3FB1] =	sst s5  }
0xe: {  	[smem:$0x3FB2] =	sst s6  }
0xf: {  	[smem:$0x3FB3] =	sst s7  }
0x10: {  	[smem:$0x3FB4] =	sst s8  }
0x11: {  	[smem:$0x3FB5] =	sst s9;
	s0 =	simm.s32 @!p0 $0x0  }
0x12: {  	s1 =	sld [smem:$0x3F9B];
	s0 =	simm.s32 @p0 $0x1  }
0x13: {  	[smem:$0x3FB6] =	sst s0;
	s0 =	simm.s32 @!p1 $0x0  }
0x14: {  	s2 =	sld [smem:$0x3F9A];
	s0 =	simm.s32 @p1 $0x1  }
0x15: {  	[smem:$0x3FB7] =	sst s0;
	s0 =	simm.s32 @!p2 $0x0  }
0x16: {  	s3 =	sld [smem:$0x3FDB];
	s0 =	simm.s32 @p2 $0x1  }
0x17: {  	s4 =	simm.s32 $0x1BF5;
	[smem:$0x3FB9] =	sst s0  }
0x18: {  	s0 =	sld [smem:$0x3F9C];
	_ =	swait.ge [sflag:s4], $0x0  }
0x19: {  	s7 =	sld [smem:$0x3F9D]  }
0x1a: {  	s8 =	sadd.s32 $0xFFFFE003, lr  }
0x1b: {  	s9 =	sadd.s32 $0xFFFFFEF7, lr;
	s5 =	simm.s32 $0xFFFFFFFF;
	p2 =	slt.u32 s8, $0xFFFFF086  }
0x1c: {  	p1 =	slt.u32 s9, $0xF7A;
	s5 =	simm.s32 @!p2 $0x0  }
0x1d: {  	s5 =	simm.s32 @p1 $0x1;
	p0 =	seq.s32 s7, s2  }
0x1e: {  	s7 =	smul.u32 @!p0 $0xF7A, s2;
	p2 =	seq.s32 @!p0 s5, $0x0  }
0x1f: {  	s9 =	smul.u32 $0xF7A, s1;
	s8 =	simm.s32 @!p0 $0x1BF5;
	p2 =	por !p2, p0  }
0x20: {  	[sflag:s8] =	ssyncset.s32 @!p0 $0xFFFFF086;
	s6 =	sadd.s32 @!p0 s3, s7;
	s7 =	simm.s32 @!p0 $0x108  }
0x21: {  	s3 =	sadd.s32 s3, s9;
	s6 =	sadd.s32 @!p0 $0x88, s6;
	s7 =	simm.s32 @p2 $0x1082  }
0x22: {  	[simem:s7], [sflag:s8] =	dma.local @!p0 [hbm:s6], $0xF7A  }
0x23: {  	s9 =	sor.u32 $0xD0000000, s2;
	s6 =	simm.s32 $0x108;
	_ =	swait.ge @!p0 [sflag:s8], $0x0  }
0x24: {  	s3 =	sadd.s32 $0x88, s3;
	s6 =	simm.s32 @!p1 $0x1082;
	[sflag:s4] =	ssyncset.s32 $0xFFFFF086  }
0x25: {  	[simem:s6], [sflag:s4] =	dma.local [hbm:s3], $0xF7A  }
0x26: {  	[smem:$0x3F9D] =	sst s1;
	(tag) =	ssettag s2;
	_ =	strace s9  }
0x27: {  	s1 =	sld [smem:$0x3FAD]  }
0x28: {  	s2 =	sld [smem:$0x3FAE]  }
0x29: {  	s4 =	sld [smem:$0x3FB0]  }
0x2a: {  	p0 =	seq.s32 s5, $0x0;
	s5 =	sld [smem:$0x3FB1]  }
0x2b: {  	s6 =	sld [smem:$0x3FB2]  }
0x2c: {  	s7 =	sld [smem:$0x3FB3]  }
0x2d: {  	s3 =	simm.s32 $0x108;
	s8 =	sld [smem:$0x3FB4]  }
0x2e: {  	s3 =	simm.s32 @!p0 $0x1082;
	s9 =	sld [smem:$0x3FB5]  }
0x2f: {  	lr =	sadd.s32 s0, s3;
	s0 =	sld [smem:$0x3FAC]  }
0x30: {  	s3 =	sld [smem:$0x3FAF]  }
0x31: {  	[smem:$0x3FB8] =	sst s10  }
0x32: {  	s10 =	sld [smem:$0x3FB6];
	_ =	sdelay $0x3  }
0x33: {  	p0 =	seq.s32 s10, $0x1;
	s10 =	sld [smem:$0x3FB8];
	_ =	sdelay $0x3  }
0x34: {  	[smem:$0x3FB8] =	sst s10  }
0x35: {  	s10 =	sld [smem:$0x3FB7];
	_ =	sdelay $0x3  }
0x36: {  	p1 =	seq.s32 s10, $0x1;
	s10 =	sld [smem:$0x3FB8];
	_ =	sdelay $0x3  }
0x37: {  	[smem:$0x3FB8] =	sst s10  }
0x38: {  	s10 =	sld [smem:$0x3FB9]  }
0x39: {  	_ = 	snop;
	(pc) =	sbr.ind lr, $3  }
0x3a: {  	_ = 	snop  }
0x3b: {  	_ = 	snop  }
0x3c: {  	p2 =	seq.s32 s10, $0x1;
	s10 =	sld [smem:$0x3FB8]  }
0x3d: {  	_ =	shalt  }
0x3e: {  	_ =	shalt  }
0x3f: {  	_ =	shalt  }
0x40: {  	_ =	shalt  }
0x41: {  	_ =	shalt  }
0x42: {  	_ =	shalt  }
0x43: {  	_ =	shalt  }
0x44: {  	_ =	shalt  }
0x45: {  	_ =	shalt  }
0x46: {  	_ =	shalt  }
0x47: {  	_ =	shalt  }
0x48: {  	_ =	shalt  }
0x49: {  	_ =	shalt  }
0x4a: {  	_ =	shalt  }
0x4b: {  	_ =	shalt  }
0x4c: {  	_ =	shalt  }
0x4d: {  	_ =	shalt  }
0x4e: {  	_ =	shalt  }
0x4f: {  	_ =	shalt  }
0x50: {  	_ =	shalt  }
0x51: {  	_ =	shalt  }
0x52: {  	_ =	shalt  }
0x53: {  	_ =	shalt  }
0x54: {  	_ =	shalt  }
0x55: {  	_ =	shalt  }
0x56: {  	_ =	shalt  }
0x57: {  	_ =	shalt  }
0x58: {  	_ =	shalt  }
0x59: {  	_ =	shalt  }
0x5a: {  	_ =	shalt  }
0x5b: {  	_ =	shalt  }
0x5c: {  	_ =	shalt  }
0x5d: {  	_ =	shalt  }
0x5e: {  	_ =	shalt  }
0x5f: {  	_ =	shalt  }
0x60: {  	_ =	shalt  }
0x61: {  	_ =	shalt  }
0x62: {  	_ =	shalt  }
0x63: {  	_ =	shalt  }
0x64: {  	_ =	shalt  }
0x65: {  	_ =	shalt  }
0x66: {  	_ =	shalt  }
0x67: {  	_ =	shalt  }
0x68: {  	_ =	shalt  }
0x69: {  	_ =	shalt  }
0x6a: {  	_ =	shalt  }
0x6b: {  	_ =	shalt  }
0x6c: {  	_ =	shalt  }
0x6d: {  	_ =	shalt  }
0x6e: {  	_ =	shalt  }
0x6f: {  	_ =	shalt  }
0x70: {  	_ =	shalt  }
0x71: {  	_ =	shalt  }
0x72: {  	_ =	shalt  }
0x73: {  	_ =	shalt  }
0x74: {  	_ =	shalt  }
0x75: {  	_ =	shalt  }
0x76: {  	_ =	shalt  }
0x77: {  	_ =	shalt  }
0x78: {  	_ =	shalt  }
0x79: {  	_ =	shalt  }
0x7a: {  	_ =	shalt  }
0x7b: {  	_ =	shalt  }
0x7c: {  	_ =	shalt  }
0x7d: {  	_ =	shalt  }
0x7e: {  	_ =	shalt  }
0x7f: {  	_ =	shalt  }
0x80: {  	_ =	shalt  }
0x81: {  	_ =	shalt  }
0x82: {  	_ =	shalt  }
0x83: {  	_ =	shalt  }
0x84: {  	_ =	shalt  }
0x85: {  	_ =	shalt  }
0x86: {  	_ =	shalt  }
0x87: {  	_ =	shalt  }
.Lfunc_end0:
.L_simem_size_0:
called_computation_lowered:
.L_overlay_start_0:
0x88: {  	s2 =	sld [smem:$0x3FD9]  }
0x89: {  	s3 =	sld [smem:$0x3FFE];
	_ =	sdelay $0x1  }
0x8a: {  	s1 =	srdreg.scid  }
0x8b: {  	s0 =	sand.u32 $0x1, s1  }
0x8c: {  	s14 =	sshll.u32 s0, $0xA;
	s2 =	sadd.s32 s3, s2  }
0x8d: {  	s2 =	sadd.s32 s2, s14  }
0x8e: {  	[smem:$0x3FC4] =	sst s2  }
0x8f: {  	_ = 	snop  }
0x90: {  	s2 =	sld [smem:$0x3FD0];
	_ =	sdelay $0x2  }
0x91: {  	s4 =	simm.s32 $0xA;
	s5 =	simm.s32 $0x10;
	s15 =	sld [smem:$0x3FC8]  }
0x92: {  	[smem:s5], [sflag:s4] =	dma.local [hbm:s2], $0x1  }
0x93: {  	_ =	swait.eq [sflag:s4], $0x1  }
0x94: {  	[sflag:s4] =	ssyncset.done $0x0  }
0x95: {  	[sflag:s4] =	ssyncadd.s32 $0xFFFFFFFF  }
0x96: {  	s16 =	sld [smem:$0x11];
	(tm) =	ssettm $0x1  }
0x97: {  	s17 =	sld [smem:$0x3FFB];
	_ =	sdelay $0x3  }
0x98: {  	_ =	strace s17  }
0x99: {  	s4 =	sld [smem:$0x3FFC];
	_ =	sdelay $0x3  }
0x9a: {  	_ =	strace s4  }
0x9b: {  	s4 =	sld [smem:$0x3FFD];
	_ =	sdelay $0x3  }
0x9c: {  	_ =	strace s4  }
0x9d: {  	_ =	strace $0x8FFFFFFF  }
0x9e: {  	s18 =	sld [smem:$0x3FDB];
	_ =	sdelay $0x1  }
0x9f: {  	s19 =	simm.s32 $_scs_section_size  }
0xa0: {  	s6 =	simm.s32 $_size__tile_overlayer_lowered;
	s7 =	simm.s32 $_tile_overlayer_lowered  }
0xa1: {  	s22 =	simm.s32 $0x1BFF;
	s21 =	sshll.u32 s7, $0x1;
	s4 =	sadd.s32 s19, s18  }
0xa2: {  	s8 =	simm.s32 $0x0;
	s20 =	sshll.u32 s6, $0x1;
	s6 =	sadd.s32 s21, s4  }
0xa3: {  	[timem:s8], [sflag:s22] =	dma.local [hbm:s6], s20  }
0xa4: {  	_ =	swait.ge [sflag:s22], s20  }
0xa5: {  	s5 =	ssub.s32 $0x0, s20;
	[sflag:s22] =	ssyncset.done $0x0  }
0xa6: {  	[sflag:s22] =	ssyncadd.s32 s5;
	_ =	sdelay $0x1  }
0xa7: {  	s23 =	simm.s32 $0x1B8B  }
0xa8: {  	_ =	swait.ge [sflag:s23], $0x1  }
0xa9: {  	[sflag:s23] =	ssyncset.done $0x0  }
0xaa: {  	s25 =	simm.s32 $0x1B8E;
	s24 =	sld [smem:$0x3FFE];
	[sflag:s23] =	ssyncadd.s32 $0xFFFFFFFF  }
0xab: {  	s26 =	simm.s32 $execute0_lowered;
	[smem:$0x3FD2] =	sst s25  }
0xac: {  	s6 =	sshll.u32 s26, $0x1;
	_ =	strace $0x80000046;
	[dreg:$0x1] =	wrdreg $0xFFFFFFFF  }
0xad: {  	s28 =	simm.s32 $_size_execute0_lowered;
	s4 =	sadd.s32 s4, s6;
	[dreg:$0x0] =	wrdreg $0x0  }
0xae: {  	s6 =	sshll.u32 s28, $0x1;
	[dreg:$0x2] =	wrdreg s4  }
0xaf: {  	[dreg:$0x3] =	wrdreg s6  }
0xb0: {  	[dreg:$0x4] =	wrdreg $0xC0  }
0xb1: {  	_ =	task [dreg:s8], $0x5FFFF  }
0xb2: {  	[dreg:$0x1] =	wrdreg $0xFFFFFFFF  }
0xb3: {  	[dreg:$0x0] =	wrdreg $0x60  }
0xb4: {  	[dreg:$0x2] =	wrdreg s16  }
0xb5: {  	[dreg:$0x3] =	wrdreg s15  }
0xb6: {  	[dreg:$0x4] =	wrdreg s24  }
0xb7: {  	[dreg:$0x5] =	wrdreg $0x9  }
0xb8: {  	_ =	task.clear_ibuf [dreg:s8], $0x6FFFF;
	_ =	strace $0x90000046  }
0xb9: {  	s29 =	simm.s32 $0x9;
	_ =	strace $0x80000048  }
0xba: {  	_ =	swait.ge [sflag:s29], $0x1  }
0xbb: {  	[sflag:s29] =	ssyncadd.s32 $0xFFFFFFFF  }
0xbc: {  	_ =	strace $0x90000048  }
0xbd: {  	_ =	sfence  }
0xbe: {  	s30 =	sld [smem:$0x0];
	_ =	sdelay $0x2  }
0xbf: {  	s31 =	sshll.u32 s1, $0xD;
	s1 =	sshrl.u32 s1, $0x2  }
0xc0: {  	s3 =	sand.u32 $0x4000, s31;
	s1 =	sadd.s32 s1, s30  }
0xc1: {  	s0 =	sor.u32 s3, s0;
	s1 =	sshll.u32 s1, $0x11  }
0xc2: {  	s0 =	sor.u32 s1, s0  }
0xc3: {  	s0 =	sadd.s32 $0x8F2B, s0  }
0xc4: {  	[sflag:s0] =	ssyncadd.remote.s32 $0x1  }
0xc5: {  	_ =	sfence.sel $0xFFFF  }
0xc6: {  	[dreg:$0x0] =	wrdreg $0xFFFFFFFF;
	(pc) =	sbr.abs _section_cstart, $3  }
0xc7: {  	[dreg:$0x1] =	wrdreg $0xFFFFFFFF  }
0xc8: {  	_ =	task.clear_ibuf [dreg:s8], $0x2FFFF;
	_ =	strace $0x9FFFFFFF  }
0xc9: {  	(tm) =	ssettm $0x7FFFFFFF  }
tec
execute0_lowered:
.L_overlay_start_1:
0x0: {  	(tag) =	ssettag $0x1  }
0x1: {  	s1 =	rddreg [dreg:$0x0]  }
0x2: {  	s4 =	rddreg [dreg:$0x1]  }
0x3: {  	s5 =	rddreg [dreg:$0x2];
	s3 =	srdreg.scid  }
0x4: {  	s0 =	rddreg [dreg:$0x3];
	s2 =	stileid.u32;
	s9 =	simm.s32 $0x200  }
0x5: {  	s10 =	simm.s32 $0x2200;
	s11 =	simm.s32 $0x100;
	s12 =	simm.s32 $0x4200  }
0x6: {  	s13 =	simm.s32 $0x180;
	s14 =	simm.s32 $0x6200;
	s15 =	simm.s32 $0x1  }
0x7: {  	s16 =	simm.s32 $0x8200;
	s17 =	simm.s32 $0x0;
	s6 =	sand.u32 $0x1, s3  }
0x8: {  	s3 =	simm.s32 $0x0;
	s7 =	sshll.u32 s2, $0x7;
	s8 =	sshll.u32 s6, $0x6  }
0x9: {  	v0 =	vlaneseq.u32;
	[smem:$0x7FF] =	sst s3;
	s6 =	ssub.s32 $0x2, s6;
	s7 =	sor.u32 s8, s7  }
0xa: {  	v0 =	vmul.u32 $0x208, v0;
	_ =	strace $0x80000047;
	s31 =	sshrl.u32 s6, $0x1;
	s8 =	simm.s32 $0x80  }
0xb: {  	s5 =	sadd.s32 s7, s5;
	s6 =	ssub.s32 s6, s31;
	s4 =	sadd.s32 s4, s7  }
0xc: {  	v1 =	vadd.s32 $0x2080, v0;
	v2 =	vadd.s32 $0x4100, v0;
	v3 =	vadd.s32 $0x6180, v0;
	s7 =	simm.s32 $0x2;
	s5 =	sadd.s32 $0xA00, s5;
	s6 =	smax.u32 s6, $0x1  }
.LBB2_1:
0xd: {  	[tilespmem:s3], [sflag:$0x2] =	stream.linear.gather [hbm4b:s4+s3], $0x200, $0x38;
	[tilespmem:$0x10400] =	vst v63  }
0xe: {  	_ =	swait.ge [sflag:s7], $0x200  }
0xf: {  	[sflag:s7] =	ssyncset.done $0x0  }
0x10: {  	[sflag:s7] =	ssyncadd.s32 $0xFFFFFE00  }
0x11: {  	[tilespmem:s9], [sflag:$0x1] =	stream.indirect.gather [hbm4b:s1+s8], $0x40, s3, s8, $0xb8;
	[tilespmem:$0x10400] =	vst v63  }
0x12: {  	_ = 	snop  }
0x13: {  	[tilespmem:s10], [sflag:$0x1] =	stream.indirect.gather [hbm4b:s1+s8], $0x40, s8, s8, $0xb8;
	[tilespmem:$0x10400] =	vst v63  }
0x14: {  	_ = 	snop  }
0x15: {  	[tilespmem:s12], [sflag:$0x1] =	stream.indirect.gather [hbm4b:s1+s8], $0x40, s11, s8, $0xb8;
	[tilespmem:$0x10400] =	vst v63  }
0x16: {  	_ = 	snop  }
0x17: {  	[tilespmem:s14], [sflag:$0x1] =	stream.indirect.gather [hbm4b:s1+s8], $0x40, s13, s8, $0xb8;
	[tilespmem:$0x10400] =	vst v63  }
0x18: {  	_ =	swait.ge [sflag:s15], $0x2000  }
0x19: {  	[sflag:s15] =	ssyncset.done $0x0  }
0x1a: {  	[sflag:s15] =	ssyncadd.s32 $0xFFFFE000  }
0x1b: {  	_ =	swait.ge [sflag:s15], $0x2000  }
0x1c: {  	[sflag:s15] =	ssyncset.done $0x0  }
0x1d: {  	[sflag:s15] =	ssyncadd.s32 $0xFFFFE000  }
0x1e: {  	_ =	swait.ge [sflag:s15], $0x2000  }
0x1f: {  	[sflag:s15] =	ssyncset.done $0x0  }
0x20: {  	[sflag:s15] =	ssyncadd.s32 $0xFFFFE000  }
0x21: {  	_ =	swait.ge [sflag:s15], $0x2000  }
0x22: {  	v4 =	vmov s3;
	[sflag:s15] =	ssyncset.done $0x0  }
0x23: {  	s20 =	simm.s32 $0x220;
	v8 =	vand.u32 $0x1FF, v4;
	[sflag:s15] =	ssyncadd.s32 $0xFFFFE000  }
0x24: {  	v6 =	vadd.s32 v0, v8;
	v5 =	vld [tilespmem:s20+$0xFFFFFFE0];
	_ =	sdelay $0x1  }
0x25: {  	s18 =	simm.s32 $0x1  }
0x26: {  	v4 =	vmov s18  }
0x27: {  	s18 =	simm.s32 $0x260;
	v4 =	vand.u32 $0x1FF, v4  }
0x28: {  	v7 =	vadd.s32 v0, v4;
	[tilespmem:v6+s16+$0x0] =	vst.idx.msk $0xffff, v5;
	v6 =	vld [tilespmem:s18+$0xFFFFFFE0]  }
0x29: {  	v10 =	vadd.s32 v1, v8;
	v9 =	vld [tilespmem:s20+$0xFFFFFFF0]  }
0x2a: {  	s19 =	simm.s32 $0x2  }
0x2b: {  	v5 =	vmov s19  }
0x2c: {  	s19 =	simm.s32 $0x2A0;
	v5 =	vand.u32 $0x1FF, v5  }
0x2d: {  	[tilespmem:v7+s16+$0x0] =	vst.idx.msk $0xffff, v6;
	v6 =	vld [tilespmem:s19+$0xFFFFFFE0];
	v7 =	vadd.s32 v0, v5  }
0x2e: {  	v11 =	vadd.s32 v1, v4;
	[tilespmem:v10+s16+$0x0] =	vst.idx.msk $0xffff, v9;
	v9 =	vld [tilespmem:s18+$0xFFFFFFF0]  }
0x2f: {  	v15 =	vadd.s32 v2, v8;
	v14 =	vld [tilespmem:s20+$0x0]  }
0x30: {  	s22 =	simm.s32 $0x3  }
0x31: {  	v12 =	vmov s22  }
0x32: {  	s21 =	simm.s32 $0x2E0;
	[tilespmem:v7+s16+$0x0] =	vst.idx.msk $0xffff, v6;
	v6 =	vand.u32 $0x1FF, v12  }
0x33: {  	v10 =	vld [tilespmem:s21+$0xFFFFFFE0];
	[tilespmem:v11+s16+$0x0] =	vst.idx.msk $0xffff, v9;
	v13 =	vadd.s32 v0, v6  }
0x34: {  	v12 =	vld [tilespmem:s19+$0xFFFFFFF0];
	[tilespmem:v15+s16+$0x0] =	vst.idx.msk $0xffff, v14;
	v14 =	vadd.s32 v1, v5  }
0x35: {  	v11 =	vadd.s32 v2, v4;
	v9 =	vld [tilespmem:s18+$0x0]  }
0x36: {  	s22 =	simm.s32 $0x4;
	v8 =	vadd.s32 v3, v8;
	v7 =	vld [tilespmem:s20+$0x10];
	s20 =	simm.s32 $0x2E0  }
.LBB2_2:
0x37: {  	v15 =	vmov s22;
	p0 =	sne.s32 s22, $0x1FF  }
.Ltmp0:
0x38: {  	s21 =	sadd.s32 $0x40, s21;
	v15 =	vand.u32 $0x1FF, v15;
	[tilespmem:v13+s16+$0x0] =	vst.idx.msk $0xffff, v10;
	(pc) =	sbr.rel @p0 .LBB2_2-.Ltmp0, $4  }
0x39: {  	v10 =	vld [tilespmem:s21+$0xFFFFFFE0];
	v13 =	vadd.s32 v0, v15;
	[tilespmem:v14+s16+$0x0] =	vst.idx.msk $0xffff, v12  }
0x3a: {  	s22 =	sadd.s32 $0x1, s22;
	v14 =	vadd.s32 v1, v6;
	v12 =	vld [tilespmem:s20+$0xFFFFFFF0];
	[tilespmem:v11+s16+$0x0] =	vst.idx.msk $0xffff, v9  }
0x3b: {  	v11 =	vadd.s32 v2, v5;
	v9 =	vld [tilespmem:s19+$0x0];
	[tilespmem:v8+s16+$0x0] =	vst.idx.msk $0xffff, v7  }
0x3c: {  	v8 =	vadd.s32 v3, v4;
	v4 =	vmovc v5;
	v5 =	vmov v6;
	v6 =	vmov v15;
	v7 =	vld [tilespmem:s18+$0x10];
	s18 =	smov.u32 s19;
	s19 =	smov.u32 s20;
	s20 =	smov.u32 s21  }
0x3d: {  	_ =	sdelay $0x3  }
0x3e: {  	[tilespmem:v13+s16+$0x0] =	vst.idx.msk $0xffff, v10  }
0x3f: {  	v59 =	vadd.s32 v1, v6;
	v10 =	vld [tilespmem:s20+$0xFFFFFFF0];
	_ =	sdelay $0x3  }
0x40: {  	[tilespmem:v14+s16+$0x0] =	vst.idx.msk $0xffff, v12  }
0x41: {  	v60 =	vadd.s32 v2, v5;
	v12 =	vld [tilespmem:s19+$0x0];
	[tilespmem:v59+s16+$0x0] =	vst.idx.msk $0xffff, v10  }
0x42: {  	v61 =	vadd.s32 v2, v6;
	v10 =	vld [tilespmem:s20+$0x0];
	_ =	sdelay $0x2  }
0x43: {  	[tilespmem:v11+s16+$0x0] =	vst.idx.msk $0xffff, v9  }
0x44: {  	v4 =	vadd.s32 v3, v4;
	v9 =	vld [tilespmem:s18+$0x10];
	[tilespmem:v60+s16+$0x0] =	vst.idx.msk $0xffff, v12  }
0x45: {  	v5 =	vadd.s32 v3, v5;
	v62 =	vld [tilespmem:s19+$0x10];
	[tilespmem:v61+s16+$0x0] =	vst.idx.msk $0xffff, v10  }
0x46: {  	v63 =	vadd.s32 v3, v6;
	v10 =	vld [tilespmem:s20+$0x10];
	_ =	sdelay $0x1  }
0x47: {  	[tilespmem:v8+s16+$0x0] =	vst.idx.msk $0xffff, v7  }
0x48: {  	[tilespmem:v4+s16+$0x0] =	vst.idx.msk $0xffff, v9  }
0x49: {  	s21 =	sadd.s32 $0x0, s5;
	[tilespmem:v5+s16+$0x0] =	vst.idx.msk $0xffff, v62  }
0x4a: {  	s18 =	simm.s32 $0x8200;
	s19 =	simm.s32 $0x800;
	s20 =	simm.s32 $0x8408;
	[tilespmem:v63+s16+$0x0] =	vst.idx.msk $0xffff, v10  }
.LBB2_4:
0x4b: {  	[hbm4b:s21+s3] =	stream.linear.scatter [tilespmem:s18], [sflag:$0x2], $0x200, $0x38;
	[tilespmem:$0x10400] =	vst v63  }
0x4c: {  	s21 =	smov.u32 s19;
	s18 =	smov.u32 s20;
	p0 =	sne.s32 s19, $0x1F800  }
.Ltmp1:
0x4d: {  	s19 =	sadd.s32 $0x800, s19;
	(pc) =	sbr.rel @p0 .LBB2_4-.Ltmp1, $2  }
0x4e: {  	_ =	sdelay $0x2  }
0x4f: {  	s20 =	sadd.s32 $0x208, s20;
	s21 =	sadd.s32 s21, s5  }
0x50: {  	s17 =	sadd.s32 $0x1, s17  }
0x51: {  	p0 =	sne.s32 s17, s6  }
.Ltmp2:
0x52: {  	_ = 	snop;
	(pc) =	sbr.rel @p0 .LBB2_1-.Ltmp2, $4  }
0x53: {  	[hbm4b:s21+s3] =	stream.linear.scatter [tilespmem:s18], [sflag:$0x2], $0x200, $0x38;
	[tilespmem:$0x10400] =	vst v63  }
0x54: {  	_ =	swait.ge [sflag:s7], $0x8000  }
0x55: {  	[sflag:s7] =	ssyncset.done $0x0  }
0x56: {  	[sflag:s7] =	ssyncadd.s32 $0xFFFF8000  }
0x57: {  	_ =	sfence.sel $0x180000  }
0x58: {  	[bflag:$0x0] =	sbarrier.arrive $0xFFFF  }
0x59: {  	p0 =	sne.s32 s2, $0x0;
	_ =	strace $0x90000047  }
0x5a: {  	s0 =	sadd.s32 @!p0 $0x100000, s0;
	[bflag:$0x2] =	sbarrier.arrive $0xFFFF  }
0x5b: {  	[sflag:s0] =	ssyncadd.tile.s32 @!p0 $0x1;
	_ =	shalt  }
.Lfunc_end2:
_tile_overlayer_lowered:
.L_overlay_start_2:
0x5c: {  	(tag) =	ssettag $0x2  }
0x5d: {  	s0 =	rddreg [dreg:$0x0];
	s2 =	stileid.u32  }
0x5e: {  	s1 =	rddreg [dreg:$0x1];
	p0 =	sne.s32 s2, $0x0  }
0x5f: {  	s3 =	rddreg [dreg:$0x2];
	[bflag:$0x3] =	sbarrier.arrive $0xFFFF;
	s2 =	simm.s32 @!p0 $0x1C02  }
0x60: {  	[timem:s3], [sflag:s2] =	dma.local @!p0 [hbm:s0], s1  }
0x61: {  	s0 =	simm.s32 @!p0 $0x2  }
0x62: {  	_ =	swait.ge @!p0 [sflag:s0], s1  }
0x63: {  	s1 =	ssub.s32 @!p0 $0x0, s1;
	[sflag:s0] =	ssyncset.done @!p0 $0x0  }
0x64: {  	[sflag:s0] =	ssyncadd.s32 @!p0 s1  }
0x65: {  	[bflag:$0x3] =	sbarrier.arrive $0xFFFF  }
0x66: {  	_ =	shalt  }

</sc_bundles>
